<compile_context>
chip_gen: v7x
topology: tpu7x:2x2x1
jax: 0.10.2.dev20260603
libtpu: 0.0.44.dev20260713+nightly
codegen_flags: <defaults>
</compile_context>

<pallas_src>
import functools

import jax
import jax.numpy as jnp
from jax import lax
from jax.experimental import pallas as pl
from jax.experimental.pallas import tpu as pltpu
import jax.experimental.pallas.tpu_sc as plsc

_G = 64
_NUM_CORES = 2
_NUM_SUBCORES = 16
_NUM_TILES = _NUM_CORES * _NUM_SUBCORES


def _pad_rows(n):
  per_sub = -(-n // _NUM_SUBCORES)
  per_sub = -(-per_sub // 8) * 8
  return per_sub, per_sub * _NUM_SUBCORES


@functools.partial(jax.jit, static_argnames=("n_pad", "e", "h", "chunk"))
def _sc_segment_sum(x, src, dst, zeros_nh, *, n_pad, e, h, chunk):
  per_tile = e // _NUM_TILES
  n_chunks = per_tile // chunk
  rows_per_sub = n_pad // _NUM_SUBCORES

  mesh = plsc.VectorSubcoreMesh(core_axis_name="c", subcore_axis_name="s")

  assert n_chunks % 2 == 1, "pipelined loop expects an odd chunk count"
  n_pairs = (n_chunks - 1) // 2

  @functools.partial(
      pl.kernel,
      out_type=jax.ShapeDtypeStruct((_NUM_CORES, n_pad, h), jnp.float32),
      mesh=mesh,
      scratch_types=[
          pltpu.VMEM((chunk,), jnp.int32),
          pltpu.VMEM((chunk,), jnp.int32),
          pltpu.VMEM((chunk,), jnp.int32),
          pltpu.VMEM((chunk,), jnp.int32),
          pltpu.VMEM((chunk, h), jnp.float32),
          pltpu.VMEM((chunk, h), jnp.float32),
          pltpu.VMEM_SHARED((n_pad, h), jnp.float32),
          pltpu.SemaphoreType.DMA,
          pltpu.SemaphoreType.DMA,
      ],
  )
  def seg_kernel(x_hbm, src_hbm, dst_hbm, zeros_hbm, out_hbm,
                 src0, dst0, src1, dst1, rows0, rows1, acc_sh, sem0, sem1):
    c = lax.axis_index("c")
    s = lax.axis_index("s")
    wid = s * _NUM_CORES + c

    r0 = s * rows_per_sub
    pltpu.sync_copy(zeros_hbm.at[pl.ds(r0, rows_per_sub)],
                    acc_sh.at[pl.ds(r0, rows_per_sub)])
    plsc.subcore_barrier()

    base = wid * per_tile

    pltpu.sync_copy(src_hbm.at[pl.ds(base, chunk)], src0)
    pltpu.sync_copy(dst_hbm.at[pl.ds(base, chunk)], dst0)
    pltpu.async_copy(x_hbm.at[src0], rows0, sem0)

    def pair(i, _):
      off1 = base + (i * 2 + 1) * chunk
      pltpu.sync_copy(src_hbm.at[pl.ds(off1, chunk)], src1)
      pltpu.sync_copy(dst_hbm.at[pl.ds(off1, chunk)], dst1)
      pltpu.async_copy(x_hbm.at[src1], rows1, sem1)
      pltpu.make_async_copy(x_hbm.at[src0], rows0, sem0).wait()
      pltpu.sync_copy(rows0, acc_sh.at[dst0], add=True)

      off2 = base + (i * 2 + 2) * chunk
      pltpu.sync_copy(src_hbm.at[pl.ds(off2, chunk)], src0)
      pltpu.sync_copy(dst_hbm.at[pl.ds(off2, chunk)], dst0)
      pltpu.async_copy(x_hbm.at[src0], rows0, sem0)
      pltpu.make_async_copy(x_hbm.at[src1], rows1, sem1).wait()
      pltpu.sync_copy(rows1, acc_sh.at[dst1], add=True)
      return 0

    lax.fori_loop(0, n_pairs, pair, 0)
    pltpu.make_async_copy(x_hbm.at[src0], rows0, sem0).wait()
    pltpu.sync_copy(rows0, acc_sh.at[dst0], add=True)
    plsc.subcore_barrier()

    pltpu.sync_copy(acc_sh.at[pl.ds(r0, rows_per_sub)],
                    out_hbm.at[c, pl.ds(r0, rows_per_sub)])

  return seg_kernel(x, src, dst, zeros_nh)


@functools.partial(jax.jit, static_argnames=("n_pad", "e", "chunk"))
def _sc_degree_count(dst, ones_c, zeros_n, *, n_pad, e, chunk):
  per_tile = e // _NUM_TILES
  n_chunks = per_tile // chunk
  rows_per_sub = n_pad // _NUM_SUBCORES

  mesh = plsc.VectorSubcoreMesh(core_axis_name="c", subcore_axis_name="s")

  @functools.partial(
      pl.kernel,
      out_type=jax.ShapeDtypeStruct((_NUM_CORES * n_pad,), jnp.float32),
      mesh=mesh,
      scratch_types=[
          pltpu.VMEM((chunk,), jnp.int32),
          pltpu.VMEM((chunk,), jnp.float32),
          pltpu.VMEM((rows_per_sub,), jnp.float32),
          pltpu.VMEM_SHARED((n_pad,), jnp.float32),
      ],
  )
  def cnt_kernel(dst_hbm, ones_hbm, zeros_hbm, out_hbm, dst_v, ones_v,
                 bounce_v, acc_sh):
    c = lax.axis_index("c")
    s = lax.axis_index("s")
    wid = s * _NUM_CORES + c

    r0 = s * rows_per_sub
    pltpu.sync_copy(zeros_hbm.at[pl.ds(r0, rows_per_sub)], bounce_v)
    pltpu.sync_copy(bounce_v, acc_sh.at[pl.ds(r0, rows_per_sub)])
    pltpu.sync_copy(ones_hbm, ones_v)
    plsc.subcore_barrier()

    base = wid * per_tile

    def body(i, _):
      off = base + i * chunk
      pltpu.sync_copy(dst_hbm.at[pl.ds(off, chunk)], dst_v)
      pltpu.sync_copy(ones_v, acc_sh.at[dst_v], add=True)
      return 0

    lax.fori_loop(0, n_chunks, body, 0)
    plsc.subcore_barrier()

    pltpu.sync_copy(acc_sh.at[pl.ds(r0, rows_per_sub)], bounce_v)
    pltpu.sync_copy(bounce_v,
                    out_hbm.at[pl.ds(c * n_pad + r0, rows_per_sub)])

  return cnt_kernel(dst, ones_c, zeros_n)


def _tc_dense(h_ref, p_ref, cnt_ref, w1_ref, b1_ref, g_ref, be_ref,
              w2_ref, b2_ref):
  n = h_ref.shape[0]
  cnt = jnp.maximum(cnt_ref[0, :n] + cnt_ref[1, :n], 1.0)[:, None]
  agg = (p_ref[0, :n] + p_ref[1, :n]) / cnt
  z = h_ref[...] + agg
  z = jnp.dot(z, w1_ref[...], preferred_element_type=jnp.float32) + b1_ref[...]
  mu = jnp.mean(z, axis=0, keepdims=True)
  var = jnp.mean((z - mu) * (z - mu), axis=0, keepdims=True)
  z = (z - mu) * lax.rsqrt(var + 1e-5) * g_ref[...] + be_ref[...]
  z = jnp.maximum(z, 0.0)
  z = jnp.dot(z, w2_ref[...], preferred_element_type=jnp.float32) + b2_ref[...]
  return z


def _tc_layer0_body(h_ref, p_ref, cnt_ref, w1_ref, b1_ref, g_ref, be_ref,
                    w2_ref, b2_ref, hout_ref, poolout_ref):
  z = _tc_dense(h_ref, p_ref, cnt_ref, w1_ref, b1_ref, g_ref, be_ref,
                w2_ref, b2_ref)
  hout_ref[...] = z
  poolout_ref[...] = z


def _tc_layer_body(h_ref, p_ref, cnt_ref, w1_ref, b1_ref, g_ref, be_ref,
                   w2_ref, b2_ref, pool_ref, hout_ref, poolout_ref):
  z = _tc_dense(h_ref, p_ref, cnt_ref, w1_ref, b1_ref, g_ref, be_ref,
                w2_ref, b2_ref)
  hout_ref[...] = z
  poolout_ref[...] = pool_ref[...] + z


def _tc_last_body(h_ref, p_ref, cnt_ref, w1_ref, b1_ref, g_ref, be_ref,
                  w2_ref, b2_ref, pool_ref, batch_ref,
                  hout_ref, poolout_ref, gpool_ref):
  z = _tc_dense(h_ref, p_ref, cnt_ref, w1_ref, b1_ref, g_ref, be_ref,
                w2_ref, b2_ref)
  hout_ref[...] = z
  pool = pool_ref[...] + z
  poolout_ref[...] = pool
  b = batch_ref[...]
  gids = lax.broadcasted_iota(jnp.int32, (1, _G), 1)
  mask = (b == gids).astype(jnp.float32)
  sums = lax.dot_general(mask, pool, (((0,), (0,)), ((), ())),
                         preferred_element_type=jnp.float32)
  gcnt = jnp.sum(mask, axis=0)[:, None]
  gpool_ref[...] = sums / jnp.maximum(gcnt, 1.0)


def _tc_layer(h, parts, cnt_parts, p, pool_in, batch2d, *, n, hdim, kind):
  weights = (p["W1"], p["b1"].reshape(1, -1), p["gamma"].reshape(1, -1),
             p["beta"].reshape(1, -1), p["W2"], p["b2"].reshape(1, -1))
  nh = jax.ShapeDtypeStruct((n, hdim), jnp.float32)
  if kind == "first":
    return pl.pallas_call(
        _tc_layer0_body, out_shape=(nh, nh),
    )(h, parts, cnt_parts, *weights)
  if kind == "mid":
    return pl.pallas_call(
        _tc_layer_body, out_shape=(nh, nh),
    )(h, parts, cnt_parts, *weights, pool_in)
  return pl.pallas_call(
      _tc_last_body,
      out_shape=(nh, nh, jax.ShapeDtypeStruct((_G, hdim), jnp.float32)),
  )(h, parts, cnt_parts, *weights, pool_in, batch2d)


def kernel(x, edge_index, batch, params):
  n, d = x.shape
  e = edge_index.shape[1]
  hdim = params[0]["W1"].shape[1]
  chunk = 80

  _, n_pad = _pad_rows(n)
  src = edge_index[0].astype(jnp.int32)
  dst = edge_index[1].astype(jnp.int32)
  zeros_nh = jnp.zeros((n_pad, hdim), jnp.float32)
  zeros_n = jnp.zeros((n_pad,), jnp.float32)
  ones_c = jnp.ones((chunk,), jnp.float32)

  cnt_parts = _sc_degree_count(dst, ones_c, zeros_n, n_pad=n_pad, e=e,
                               chunk=chunk).reshape(_NUM_CORES, n_pad)
  batch2d = batch.astype(jnp.int32).reshape(n, 1)

  h = x
  pool = None
  n_layers = len(params)
  for i, p in enumerate(params):
    parts = _sc_segment_sum(h, src, dst, zeros_nh, n_pad=n_pad, e=e,
                            h=hdim, chunk=chunk)
    kind = "first" if i == 0 else ("last" if i == n_layers - 1 else "mid")
    out = _tc_layer(h, parts, cnt_parts, p, pool, batch2d,
                    n=n, hdim=hdim, kind=kind)
    if kind == "last":
      h, pool, gpool = out
    else:
      h, pool = out

  return (pool, gpool)

# --- scband reference (transcript-rebuilt; emitter-appended) ---
"""Pipeline reference for scband-gin-50268297232946 (READ-ONLY COPY).

The authoritative reference and input builder live on the scoring server;
editing this copy changes nothing except your own understanding.
"""

import jax, jax.numpy as jnp
import numpy as np

N = 10000
E = 320000
D = 128
H = 128
L = 4
G = 64


def setup_inputs(seed: int = 0) -> dict:
    key = jax.random.key(seed)
    kx, ke, kb = jax.random.split(key, 3)
    x = jax.random.normal(kx, (N, D), dtype=jnp.float32)
    edge_index = jax.random.randint(ke, (2, E), 0, N)
    batch = jnp.sort(jax.random.randint(kb, (N,), 0, G))
    params = []
    dims = [(D, H)] + [(H, H)] * (L - 1)
    for i, (di, do) in enumerate(dims):
        k1 = jax.random.fold_in(key, 10 + i)
        k2 = jax.random.fold_in(key, 100 + i)
        params.append({
            'W1': jax.random.normal(k1, (di, do), dtype=jnp.float32) / np.sqrt(di).astype(np.float32),
            'b1': jnp.zeros((do,), jnp.float32),
            'gamma': jnp.ones((do,), jnp.float32),
            'beta': jnp.zeros((do,), jnp.float32),
            'W2': jax.random.normal(k2, (do, do), dtype=jnp.float32) / np.sqrt(do).astype(np.float32),
            'b2': jnp.zeros((do,), jnp.float32),
        })
    return {'x': x, 'edge_index': edge_index, 'batch': batch, 'params': params}


def _gin_conv(h, src, dst, p):
    # GINConv with eps=0, aggr='mean', flow='source_to_target':
    # out = MLP(h + mean_{j in N(i)} h_j)
    msum = jax.ops.segment_sum(h[src], dst, num_segments=N)
    cnt = jax.ops.segment_sum(jnp.ones((E,), jnp.float32), dst, num_segments=N)
    agg = msum / jnp.clip(cnt, 1.0)[:, None]
    z = h + agg
    z = z @ p['W1'] + p['b1']
    # BatchNorm1d in training mode (batch statistics, biased variance)
    mu = jnp.mean(z, axis=0)
    var = jnp.var(z, axis=0)
    z = (z - mu) / jnp.sqrt(var + 1e-5) * p['gamma'] + p['beta']
    z = jax.nn.relu(z)
    z = z @ p['W2'] + p['b2']
    return z


def _global_mean_pool(h, batch):
    s = jax.ops.segment_sum(h, batch, num_segments=G)
    c = jax.ops.segment_sum(jnp.ones((N,), jnp.float32), batch, num_segments=G)
    return s / jnp.clip(c, 1.0)[:, None]


def reference(x, edge_index, batch, params):
    src, dst = edge_index[0], edge_index[1]
    node_pool = jnp.zeros((N, H), jnp.float32)
    gpool = jnp.zeros((G, H), jnp.float32)
    h = x
    for p in params:
        h = _gin_conv(h, src, dst, p)
        node_pool = node_pool + h
        gpool = gpool + _global_mean_pool(h, batch)
    return (node_pool, gpool)

if __name__ == "__main__":
    import jax
    _d = setup_inputs()
    print(jax.jit(kernel)(*tuple(_d.values())))

</pallas_src>

<mosaic_0001>
#map = affine_map<(d0, d1) -> (0)>
module attributes {stable_mosaic.version = 14 : i64} {
  func.func @cnt_kernel(%arg0: i32, %arg1: i32, %arg2: memref<320000xi32, #tpu.memory_space<hbm>>, %arg3: memref<80xf32, #tpu.memory_space<hbm>>, %arg4: memref<10112xf32, #tpu.memory_space<hbm>>, %arg5: memref<20224xf32, #tpu.memory_space<hbm>>, %arg6: memref<80xi32, #tpu.memory_space<vmem>>, %arg7: memref<80xf32, #tpu.memory_space<vmem>>, %arg8: memref<632xf32, #tpu.memory_space<vmem>>, %arg9: memref<10112xf32, #tpu.memory_space<vmem_shared>>) attributes {dimension_semantics = [#tpu.dimension_semantics<core_parallel>, #tpu.dimension_semantics<subcore_parallel>], iteration_bounds = array<i64: 2, 16>, scalar_prefetch = 0 : i64, scratch_operands = 4 : i64, tpu.core_type = #tpu.core_type<sc_vector_subcore>, window_params = [{transform_indices = #map}, {transform_indices = #map}, {transform_indices = #map}, {transform_indices = #map}]} {
    %mul3A = arith.constant 2 : i32
    %mul3A_0 = arith.muli %arg1, %mul3A : i32
    %add3A = arith.addi %mul3A_0, %arg0 : i32
    %mul3A_1 = arith.constant 632 : i32
    %mul3A_2 = arith.muli %arg1, %mul3A_1 : i32
    "tpu.region"() ({
      %run_scoped3A = tpu.sem_alloc : memref<!tpu.dma_semaphore, #tpu.memory_space<semaphore_mem>>
      %dma_start3A = tpu.memref_slice %arg4[%mul3A_2] : memref<10112xf32, #tpu.memory_space<hbm>> -> memref<632xf32, #tpu.memory_space<hbm>>
      %dma_start3A_15 = tpu.memref_slice %arg4[%mul3A_2] : memref<10112xf32, #tpu.memory_space<hbm>> -> memref<632xf32, #tpu.memory_space<hbm>>
      tpu.enqueue_dma source(%dma_start3A_15 : memref<632xf32, #tpu.memory_space<hbm>>) target(%arg8 : memref<632xf32, #tpu.memory_space<vmem>>) target_semaphore(%run_scoped3A : memref<!tpu.dma_semaphore, #tpu.memory_space<semaphore_mem>>)
      %dma_wait3A = tpu.memref_slice %arg4[%mul3A_2] : memref<10112xf32, #tpu.memory_space<hbm>> -> memref<632xf32, #tpu.memory_space<hbm>>
      %dma_wait3A_16 = tpu.memref_slice %arg4[%mul3A_2] : memref<10112xf32, #tpu.memory_space<hbm>> -> memref<632xf32, #tpu.memory_space<hbm>>
      tpu.wait_dma2 semaphore(%run_scoped3A : memref<!tpu.dma_semaphore, #tpu.memory_space<semaphore_mem>>) src(%dma_wait3A_16 : memref<632xf32, #tpu.memory_space<hbm>>) dst(%arg8 : memref<632xf32, #tpu.memory_space<vmem>>)
      tpu.yield
    }) : () -> ()
    "tpu.region"() ({
      %run_scoped3A = tpu.sem_alloc : memref<!tpu.dma_semaphore, #tpu.memory_space<semaphore_mem>>
      %dma_start3A = tpu.memref_slice %arg9[%mul3A_2] : memref<10112xf32, #tpu.memory_space<vmem_shared>> -> memref<632xf32, #tpu.memory_space<vmem_shared>>
      %dma_start3A_15 = tpu.memref_slice %arg9[%mul3A_2] : memref<10112xf32, #tpu.memory_space<vmem_shared>> -> memref<632xf32, #tpu.memory_space<vmem_shared>>
      tpu.enqueue_dma source(%arg8 : memref<632xf32, #tpu.memory_space<vmem>>) target(%dma_start3A_15 : memref<632xf32, #tpu.memory_space<vmem_shared>>) target_semaphore(%run_scoped3A : memref<!tpu.dma_semaphore, #tpu.memory_space<semaphore_mem>>)
      %dma_wait3A = tpu.memref_slice %arg9[%mul3A_2] : memref<10112xf32, #tpu.memory_space<vmem_shared>> -> memref<632xf32, #tpu.memory_space<vmem_shared>>
      %dma_wait3A_16 = tpu.memref_slice %arg9[%mul3A_2] : memref<10112xf32, #tpu.memory_space<vmem_shared>> -> memref<632xf32, #tpu.memory_space<vmem_shared>>
      tpu.wait_dma2 semaphore(%run_scoped3A : memref<!tpu.dma_semaphore, #tpu.memory_space<semaphore_mem>>) src(%arg8 : memref<632xf32, #tpu.memory_space<vmem>>) dst(%dma_wait3A_16 : memref<632xf32, #tpu.memory_space<vmem_shared>>)
      tpu.yield
    }) : () -> ()
    "tpu.region"() ({
      %run_scoped3A = tpu.sem_alloc : memref<!tpu.dma_semaphore, #tpu.memory_space<semaphore_mem>>
      tpu.enqueue_dma source(%arg3 : memref<80xf32, #tpu.memory_space<hbm>>) target(%arg7 : memref<80xf32, #tpu.memory_space<vmem>>) target_semaphore(%run_scoped3A : memref<!tpu.dma_semaphore, #tpu.memory_space<semaphore_mem>>)
      tpu.wait_dma2 semaphore(%run_scoped3A : memref<!tpu.dma_semaphore, #tpu.memory_space<semaphore_mem>>) src(%arg3 : memref<80xf32, #tpu.memory_space<hbm>>) dst(%arg7 : memref<80xf32, #tpu.memory_space<vmem>>)
      tpu.yield
    }) : () -> ()
    %barrier3A = arith.constant 0 : index
    tpu.barrier barrier_id(%barrier3A)
    %mul3A_3 = arith.constant 10000 : i32
    %mul3A_4 = arith.muli %add3A, %mul3A_3 : i32
    %scan3A = arith.constant 0 : i32
    %scan3A_5 = arith.constant 0 : i32
    %scan3A_6 = arith.constant 125 : i32
    %scan3A_7 = arith.addi %scan3A_5, %scan3A_6 : i32
    %scan3A_8 = arith.constant 1 : i32
    %scan3A_9 = scf.for %scan3A_15 = %scan3A_5 to %scan3A_7 step %scan3A_8 iter_args(%scan3A_16 = %scan3A) -> (i32)  : i32 {
      %mul3A_17 = arith.constant 80 : i32
      %mul3A_18 = arith.muli %scan3A_15, %mul3A_17 : i32
      %add3A_19 = arith.addi %mul3A_4, %mul3A_18 : i32
      "tpu.region"() ({
        %run_scoped3A = tpu.sem_alloc : memref<!tpu.dma_semaphore, #tpu.memory_space<semaphore_mem>>
        %dma_start3A = tpu.memref_slice %arg2[%add3A_19] : memref<320000xi32, #tpu.memory_space<hbm>> -> memref<80xi32, #tpu.memory_space<hbm>>
        %dma_start3A_21 = tpu.memref_slice %arg2[%add3A_19] : memref<320000xi32, #tpu.memory_space<hbm>> -> memref<80xi32, #tpu.memory_space<hbm>>
        tpu.enqueue_dma source(%dma_start3A_21 : memref<80xi32, #tpu.memory_space<hbm>>) target(%arg6 : memref<80xi32, #tpu.memory_space<vmem>>) target_semaphore(%run_scoped3A : memref<!tpu.dma_semaphore, #tpu.memory_space<semaphore_mem>>)
        %dma_wait3A = tpu.memref_slice %arg2[%add3A_19] : memref<320000xi32, #tpu.memory_space<hbm>> -> memref<80xi32, #tpu.memory_space<hbm>>
        %dma_wait3A_22 = tpu.memref_slice %arg2[%add3A_19] : memref<320000xi32, #tpu.memory_space<hbm>> -> memref<80xi32, #tpu.memory_space<hbm>>
        tpu.wait_dma2 semaphore(%run_scoped3A : memref<!tpu.dma_semaphore, #tpu.memory_space<semaphore_mem>>) src(%dma_wait3A_22 : memref<80xi32, #tpu.memory_space<hbm>>) dst(%arg6 : memref<80xi32, #tpu.memory_space<vmem>>)
        tpu.yield
      }) : () -> ()
      "tpu.region"() ({
        %run_scoped3A = tpu.sem_alloc : memref<!tpu.dma_semaphore, #tpu.memory_space<semaphore_mem>>
        %dma_start3A = arith.constant 0 : i32
        %dma_start3A_21 = tpu.memref_slice %arg9[%dma_start3A] : memref<10112xf32, #tpu.memory_space<vmem_shared>> -> memref<10112xf32, #tpu.memory_space<vmem_shared>>
        tpu.enqueue_indirect_dma source(%arg7 : memref<80xf32, #tpu.memory_space<vmem>>) target(%dma_start3A_21 : memref<10112xf32, #tpu.memory_space<vmem_shared>>) offsets(%arg6 : memref<80xi32, #tpu.memory_space<vmem>>) semaphore(%run_scoped3A : memref<!tpu.dma_semaphore, #tpu.memory_space<semaphore_mem>>) {add = true}
        %dma_wait3A = arith.constant 0 : i32
        %dma_wait3A_22 = tpu.memref_slice %arg9[%dma_wait3A] : memref<10112xf32, #tpu.memory_space<vmem_shared>> -> memref<10112xf32, #tpu.memory_space<vmem_shared>>
        tpu.wait_indirect_dma semaphore(%run_scoped3A : memref<!tpu.dma_semaphore, #tpu.memory_space<semaphore_mem>>) src(%arg7 : memref<80xf32, #tpu.memory_space<vmem>>) dst(%dma_wait3A_22 : memref<10112xf32, #tpu.memory_space<vmem_shared>>)
        tpu.yield
      }) : () -> ()
      %scan3A_20 = arith.constant 0 : i32
      scf.yield %scan3A_20 : i32
    }
    %scan3A_10 = arith.constant 125 : i32
    %barrier3A_11 = arith.constant 0 : index
    tpu.barrier barrier_id(%barrier3A_11)
    "tpu.region"() ({
      %run_scoped3A = tpu.sem_alloc : memref<!tpu.dma_semaphore, #tpu.memory_space<semaphore_mem>>
      %dma_start3A = tpu.memref_slice %arg9[%mul3A_2] : memref<10112xf32, #tpu.memory_space<vmem_shared>> -> memref<632xf32, #tpu.memory_space<vmem_shared>>
      %dma_start3A_15 = tpu.memref_slice %arg9[%mul3A_2] : memref<10112xf32, #tpu.memory_space<vmem_shared>> -> memref<632xf32, #tpu.memory_space<vmem_shared>>
      tpu.enqueue_dma source(%dma_start3A_15 : memref<632xf32, #tpu.memory_space<vmem_shared>>) target(%arg8 : memref<632xf32, #tpu.memory_space<vmem>>) target_semaphore(%run_scoped3A : memref<!tpu.dma_semaphore, #tpu.memory_space<semaphore_mem>>)
      %dma_wait3A = tpu.memref_slice %arg9[%mul3A_2] : memref<10112xf32, #tpu.memory_space<vmem_shared>> -> memref<632xf32, #tpu.memory_space<vmem_shared>>
      %dma_wait3A_16 = tpu.memref_slice %arg9[%mul3A_2] : memref<10112xf32, #tpu.memory_space<vmem_shared>> -> memref<632xf32, #tpu.memory_space<vmem_shared>>
      tpu.wait_dma2 semaphore(%run_scoped3A : memref<!tpu.dma_semaphore, #tpu.memory_space<semaphore_mem>>) src(%dma_wait3A_16 : memref<632xf32, #tpu.memory_space<vmem_shared>>) dst(%arg8 : memref<632xf32, #tpu.memory_space<vmem>>)
      tpu.yield
    }) : () -> ()
    %mul3A_12 = arith.constant 10112 : i32
    %mul3A_13 = arith.muli %arg0, %mul3A_12 : i32
    %add3A_14 = arith.addi %mul3A_13, %mul3A_2 : i32
    "tpu.region"() ({
      %run_scoped3A = tpu.sem_alloc : memref<!tpu.dma_semaphore, #tpu.memory_space<semaphore_mem>>
      %dma_start3A = tpu.memref_slice %arg5[%add3A_14] : memref<20224xf32, #tpu.memory_space<hbm>> -> memref<632xf32, #tpu.memory_space<hbm>>
      %dma_start3A_15 = tpu.memref_slice %arg5[%add3A_14] : memref<20224xf32, #tpu.memory_space<hbm>> -> memref<632xf32, #tpu.memory_space<hbm>>
      tpu.enqueue_dma source(%arg8 : memref<632xf32, #tpu.memory_space<vmem>>) target(%dma_start3A_15 : memref<632xf32, #tpu.memory_space<hbm>>) target_semaphore(%run_scoped3A : memref<!tpu.dma_semaphore, #tpu.memory_space<semaphore_mem>>)
      %dma_wait3A = tpu.memref_slice %arg5[%add3A_14] : memref<20224xf32, #tpu.memory_space<hbm>> -> memref<632xf32, #tpu.memory_space<hbm>>
      %dma_wait3A_16 = tpu.memref_slice %arg5[%add3A_14] : memref<20224xf32, #tpu.memory_space<hbm>> -> memref<632xf32, #tpu.memory_space<hbm>>
      tpu.wait_dma2 semaphore(%run_scoped3A : memref<!tpu.dma_semaphore, #tpu.memory_space<semaphore_mem>>) src(%arg8 : memref<632xf32, #tpu.memory_space<vmem>>) dst(%dma_wait3A_16 : memref<632xf32, #tpu.memory_space<hbm>>)
      tpu.yield
    }) : () -> ()
    return
  }
}

</mosaic_0001>

<sc_bundles>
// kernel: _sc_degree_count.3.cloned.1.call-start
scs
__scs_entry_jumppad:
0x0: {  	(pc) =	sbr.rel $0x88, $3  }
0x1: {  	(tag) =	ssettag $0x0;
	lr =	simm.s32 $0x1  }
0x2: {  	[smem:$0x3F9E] =	sst lr;
	_ =	strace $0xD0000000  }
0x3: {  	_ = 	snop  }
0x4: {  	_ = 	snop  }
0x5: {  	_ = 	snop  }
0x6: {  	_ = 	snop  }
0x7: {  	_ = 	snop  }
__scs_overlays_trampoline_lowered:
0x8: {  	[smem:$0x3FAD] =	sst s0  }
0x9: {  	[smem:$0x3FAE] =	sst s1  }
0xa: {  	[smem:$0x3FAF] =	sst s2  }
0xb: {  	[smem:$0x3FB0] =	sst s3  }
0xc: {  	[smem:$0x3FB1] =	sst s4  }
0xd: {  	[smem:$0x3FB2] =	sst s5  }
0xe: {  	[smem:$0x3FB3] =	sst s6  }
0xf: {  	[smem:$0x3FB4] =	sst s7  }
0x10: {  	[smem:$0x3FB5] =	sst s8  }
0x11: {  	[smem:$0x3FB6] =	sst s9;
	s0 =	simm.s32 @!p0 $0x0  }
0x12: {  	s1 =	sld [smem:$0x3F9C];
	s0 =	simm.s32 @p0 $0x1  }
0x13: {  	[smem:$0x3FB7] =	sst s0;
	s0 =	simm.s32 @!p1 $0x0  }
0x14: {  	s2 =	sld [smem:$0x3F9B];
	s0 =	simm.s32 @p1 $0x1  }
0x15: {  	[smem:$0x3FB8] =	sst s0;
	s0 =	simm.s32 @!p2 $0x0  }
0x16: {  	s3 =	sld [smem:$0x3FDB];
	s0 =	simm.s32 @p2 $0x1  }
0x17: {  	s4 =	simm.s32 $0x1BF5;
	[smem:$0x3FBA] =	sst s0  }
0x18: {  	s0 =	sld [smem:$0x3F9D];
	_ =	swait.ge [sflag:s4], $0x0  }
0x19: {  	s7 =	sld [smem:$0x3F9E]  }
0x1a: {  	s8 =	sadd.s32 $0xFFFFE003, lr  }
0x1b: {  	s9 =	sadd.s32 $0xFFFFFEF7, lr;
	s5 =	simm.s32 $0xFFFFFFFF;
	p2 =	slt.u32 s8, $0xFFFFF086  }
0x1c: {  	p1 =	slt.u32 s9, $0xF7A;
	s5 =	simm.s32 @!p2 $0x0  }
0x1d: {  	s5 =	simm.s32 @p1 $0x1;
	p0 =	seq.s32 s7, s2  }
0x1e: {  	s7 =	smul.u32 @!p0 $0xF7A, s2;
	p2 =	seq.s32 @!p0 s5, $0x0  }
0x1f: {  	s9 =	smul.u32 $0xF7A, s1;
	s8 =	simm.s32 @!p0 $0x1BF5;
	p2 =	por !p2, p0  }
0x20: {  	[sflag:s8] =	ssyncset.s32 @!p0 $0xFFFFF086;
	s6 =	sadd.s32 @!p0 s3, s7;
	s7 =	simm.s32 @!p0 $0x108  }
0x21: {  	s3 =	sadd.s32 s3, s9;
	s6 =	sadd.s32 @!p0 $0x88, s6;
	s7 =	simm.s32 @p2 $0x1082  }
0x22: {  	[simem:s7], [sflag:s8] =	dma.local @!p0 [hbm:s6], $0xF7A  }
0x23: {  	s9 =	sor.u32 $0xD0000000, s2;
	s6 =	simm.s32 $0x108;
	_ =	swait.ge @!p0 [sflag:s8], $0x0  }
0x24: {  	s3 =	sadd.s32 $0x88, s3;
	s6 =	simm.s32 @!p1 $0x1082;
	[sflag:s4] =	ssyncset.s32 $0xFFFFF086  }
0x25: {  	[simem:s6], [sflag:s4] =	dma.local [hbm:s3], $0xF7A  }
0x26: {  	[smem:$0x3F9E] =	sst s1;
	(tag) =	ssettag s2;
	_ =	strace s9  }
0x27: {  	s1 =	sld [smem:$0x3FAE]  }
0x28: {  	s2 =	sld [smem:$0x3FAF]  }
0x29: {  	s4 =	sld [smem:$0x3FB1]  }
0x2a: {  	p0 =	seq.s32 s5, $0x0;
	s5 =	sld [smem:$0x3FB2]  }
0x2b: {  	s6 =	sld [smem:$0x3FB3]  }
0x2c: {  	s7 =	sld [smem:$0x3FB4]  }
0x2d: {  	s3 =	simm.s32 $0x108;
	s8 =	sld [smem:$0x3FB5]  }
0x2e: {  	s3 =	simm.s32 @!p0 $0x1082;
	s9 =	sld [smem:$0x3FB6]  }
0x2f: {  	lr =	sadd.s32 s0, s3;
	s0 =	sld [smem:$0x3FAD]  }
0x30: {  	s3 =	sld [smem:$0x3FB0]  }
0x31: {  	[smem:$0x3FB9] =	sst s10  }
0x32: {  	s10 =	sld [smem:$0x3FB7];
	_ =	sdelay $0x3  }
0x33: {  	p0 =	seq.s32 s10, $0x1;
	s10 =	sld [smem:$0x3FB9];
	_ =	sdelay $0x3  }
0x34: {  	[smem:$0x3FB9] =	sst s10  }
0x35: {  	s10 =	sld [smem:$0x3FB8];
	_ =	sdelay $0x3  }
0x36: {  	p1 =	seq.s32 s10, $0x1;
	s10 =	sld [smem:$0x3FB9];
	_ =	sdelay $0x3  }
0x37: {  	[smem:$0x3FB9] =	sst s10  }
0x38: {  	s10 =	sld [smem:$0x3FBA]  }
0x39: {  	_ = 	snop;
	(pc) =	sbr.ind lr, $3  }
0x3a: {  	_ = 	snop  }
0x3b: {  	_ = 	snop  }
0x3c: {  	p2 =	seq.s32 s10, $0x1;
	s10 =	sld [smem:$0x3FB9]  }
0x3d: {  	_ =	shalt  }
0x3e: {  	_ =	shalt  }
0x3f: {  	_ =	shalt  }
0x40: {  	_ =	shalt  }
0x41: {  	_ =	shalt  }
0x42: {  	_ =	shalt  }
0x43: {  	_ =	shalt  }
0x44: {  	_ =	shalt  }
0x45: {  	_ =	shalt  }
0x46: {  	_ =	shalt  }
0x47: {  	_ =	shalt  }
0x48: {  	_ =	shalt  }
0x49: {  	_ =	shalt  }
0x4a: {  	_ =	shalt  }
0x4b: {  	_ =	shalt  }
0x4c: {  	_ =	shalt  }
0x4d: {  	_ =	shalt  }
0x4e: {  	_ =	shalt  }
0x4f: {  	_ =	shalt  }
0x50: {  	_ =	shalt  }
0x51: {  	_ =	shalt  }
0x52: {  	_ =	shalt  }
0x53: {  	_ =	shalt  }
0x54: {  	_ =	shalt  }
0x55: {  	_ =	shalt  }
0x56: {  	_ =	shalt  }
0x57: {  	_ =	shalt  }
0x58: {  	_ =	shalt  }
0x59: {  	_ =	shalt  }
0x5a: {  	_ =	shalt  }
0x5b: {  	_ =	shalt  }
0x5c: {  	_ =	shalt  }
0x5d: {  	_ =	shalt  }
0x5e: {  	_ =	shalt  }
0x5f: {  	_ =	shalt  }
0x60: {  	_ =	shalt  }
0x61: {  	_ =	shalt  }
0x62: {  	_ =	shalt  }
0x63: {  	_ =	shalt  }
0x64: {  	_ =	shalt  }
0x65: {  	_ =	shalt  }
0x66: {  	_ =	shalt  }
0x67: {  	_ =	shalt  }
0x68: {  	_ =	shalt  }
0x69: {  	_ =	shalt  }
0x6a: {  	_ =	shalt  }
0x6b: {  	_ =	shalt  }
0x6c: {  	_ =	shalt  }
0x6d: {  	_ =	shalt  }
0x6e: {  	_ =	shalt  }
0x6f: {  	_ =	shalt  }
0x70: {  	_ =	shalt  }
0x71: {  	_ =	shalt  }
0x72: {  	_ =	shalt  }
0x73: {  	_ =	shalt  }
0x74: {  	_ =	shalt  }
0x75: {  	_ =	shalt  }
0x76: {  	_ =	shalt  }
0x77: {  	_ =	shalt  }
0x78: {  	_ =	shalt  }
0x79: {  	_ =	shalt  }
0x7a: {  	_ =	shalt  }
0x7b: {  	_ =	shalt  }
0x7c: {  	_ =	shalt  }
0x7d: {  	_ =	shalt  }
0x7e: {  	_ =	shalt  }
0x7f: {  	_ =	shalt  }
0x80: {  	_ =	shalt  }
0x81: {  	_ =	shalt  }
0x82: {  	_ =	shalt  }
0x83: {  	_ =	shalt  }
0x84: {  	_ =	shalt  }
0x85: {  	_ =	shalt  }
0x86: {  	_ =	shalt  }
0x87: {  	_ =	shalt  }
.Lfunc_end0:
.L_simem_size_0:
called_computation_lowered:
.L_overlay_start_0:
0x88: {  	s2 =	sld [smem:$0x3FD9]  }
0x89: {  	s3 =	sld [smem:$0x3FFE];
	_ =	sdelay $0x1  }
0x8a: {  	s1 =	srdreg.scid  }
0x8b: {  	s0 =	sand.u32 $0x1, s1  }
0x8c: {  	s18 =	sshll.u32 s0, $0xA;
	s2 =	sadd.s32 s3, s2  }
0x8d: {  	s2 =	sadd.s32 s2, s18  }
0x8e: {  	[smem:$0x3FC5] =	sst s2  }
0x8f: {  	_ = 	snop  }
0x90: {  	s2 =	sld [smem:$0x3FC9]  }
0x91: {  	s19 =	sld [smem:$0x3FC8]  }
0x92: {  	s4 =	sld [smem:$0x3FC7]  }
0x93: {  	s5 =	sld [smem:$0x3FD0];
	(tm) =	ssettm $0x1  }
0x94: {  	s6 =	sld [smem:$0x3FFB];
	_ =	sdelay $0x3  }
0x95: {  	_ =	strace s6  }
0x96: {  	s6 =	sld [smem:$0x3FFC];
	_ =	sdelay $0x3  }
0x97: {  	_ =	strace s6  }
0x98: {  	s6 =	sld [smem:$0x3FFD];
	_ =	sdelay $0x3  }
0x99: {  	_ =	strace s6  }
0x9a: {  	_ =	strace $0x8FFFFFFF  }
0x9b: {  	s20 =	sld [smem:$0x3FDB];
	_ =	sdelay $0x1  }
0x9c: {  	s7 =	simm.s32 $_scs_section_size  }
0x9d: {  	s8 =	simm.s32 $_size__tile_overlayer_lowered;
	s9 =	simm.s32 $_tile_overlayer_lowered  }
0x9e: {  	s23 =	simm.s32 $0x1BFF;
	s22 =	sshll.u32 s9, $0x1;
	s6 =	sadd.s32 s7, s20  }
0x9f: {  	s10 =	simm.s32 $0x0;
	s21 =	sshll.u32 s8, $0x1;
	s8 =	sadd.s32 s22, s6  }
0xa0: {  	[timem:s10], [sflag:s23] =	dma.local [hbm:s8], s21  }
0xa1: {  	_ =	swait.ge [sflag:s23], s21  }
0xa2: {  	s7 =	ssub.s32 $0x0, s21;
	[sflag:s23] =	ssyncset.done $0x0  }
0xa3: {  	[sflag:s23] =	ssyncadd.s32 s7;
	_ =	sdelay $0x1  }
0xa4: {  	s24 =	simm.s32 $0x1B8B  }
0xa5: {  	_ =	swait.ge [sflag:s24], $0x1  }
0xa6: {  	[sflag:s24] =	ssyncset.done $0x0  }
0xa7: {  	s25 =	simm.s32 $0x1B8E;
	[sflag:s24] =	ssyncadd.s32 $0xFFFFFFFF  }
0xa8: {  	s26 =	simm.s32 $execute0_lowered;
	[smem:$0x3FD2] =	sst s25  }
0xa9: {  	s7 =	sshll.u32 s26, $0x1;
	_ =	strace $0x80000046;
	[dreg:$0x1] =	wrdreg $0xFFFFFFFF  }
0xaa: {  	s28 =	simm.s32 $_size_execute0_lowered;
	s6 =	sadd.s32 s6, s7;
	[dreg:$0x0] =	wrdreg $0x0  }
0xab: {  	s7 =	sshll.u32 s28, $0x1;
	[dreg:$0x2] =	wrdreg s6  }
0xac: {  	[dreg:$0x3] =	wrdreg s7  }
0xad: {  	[dreg:$0x4] =	wrdreg $0xC0  }
0xae: {  	_ =	task [dreg:s10], $0x5FFFF  }
0xaf: {  	[dreg:$0x1] =	wrdreg $0xFFFFFFFF  }
0xb0: {  	[dreg:$0x0] =	wrdreg $0x60  }
0xb1: {  	[dreg:$0x2] =	wrdreg s2  }
0xb2: {  	[dreg:$0x3] =	wrdreg s19  }
0xb3: {  	[dreg:$0x4] =	wrdreg s4  }
0xb4: {  	[dreg:$0x5] =	wrdreg s5  }
0xb5: {  	[dreg:$0x6] =	wrdreg $0x3800  }
0xb6: {  	[dreg:$0x7] =	wrdreg $0x9  }
0xb7: {  	_ =	task.clear_ibuf [dreg:s10], $0x8FFFF;
	_ =	strace $0x90000046  }
0xb8: {  	s29 =	simm.s32 $0x9;
	_ =	strace $0x80000048  }
0xb9: {  	_ =	swait.ge [sflag:s29], $0x1  }
0xba: {  	[sflag:s29] =	ssyncadd.s32 $0xFFFFFFFF  }
0xbb: {  	_ =	strace $0x90000048  }
0xbc: {  	_ =	sfence  }
0xbd: {  	s30 =	sld [smem:$0x0];
	_ =	sdelay $0x2  }
0xbe: {  	s31 =	sshll.u32 s1, $0xD;
	s1 =	sshrl.u32 s1, $0x2  }
0xbf: {  	s3 =	sand.u32 $0x4000, s31;
	s1 =	sadd.s32 s1, s30  }
0xc0: {  	s0 =	sor.u32 s3, s0;
	s1 =	sshll.u32 s1, $0x11  }
0xc1: {  	s0 =	sor.u32 s1, s0  }
0xc2: {  	s0 =	sadd.s32 $0x8F2B, s0  }
0xc3: {  	[sflag:s0] =	ssyncadd.remote.s32 $0x1  }
0xc4: {  	_ =	sfence.sel $0xFFFF  }
0xc5: {  	[dreg:$0x0] =	wrdreg $0xFFFFFFFF;
	(pc) =	sbr.abs _section_cstart, $3  }
0xc6: {  	[dreg:$0x1] =	wrdreg $0xFFFFFFFF  }
0xc7: {  	_ =	task.clear_ibuf [dreg:s10], $0x2FFFF;
	_ =	strace $0x9FFFFFFF  }
0xc8: {  	(tm) =	ssettm $0x7FFFFFFF  }
0xc9: {  	_ =	shalt  }
tec
execute0_lowered:
.L_overlay_start_1:
0x0: {  	(tag) =	ssettag $0x1  }
0x1: {  	s9 =	rddreg [dreg:$0x0]  }
0x2: {  	s1 =	rddreg [dreg:$0x1]  }
0x3: {  	s5 =	rddreg [dreg:$0x2]  }
0x4: {  	s7 =	rddreg [dreg:$0x3]  }
0x5: {  	s3 =	rddreg [dreg:$0x4]  }
0x6: {  	s0 =	rddreg [dreg:$0x5];
	s2 =	stileid.u32  }
0x7: {  	s6 =	srdreg.scid;
	s4 =	simm.s32 $0x0;
	s8 =	smul.u32 $0x278, s2  }
0x8: {  	s6 =	sand.u32 $0x1, s6;
	[smem:$0x7FF] =	sst s4;
	s12 =	smul.u32 $0x4E20, s2  }
0x9: {  	s10 =	smul.u32 $0x2780, s6;
	_ =	strace $0x80000047;
	s11 =	ssub.s32 $0x2, s6  }
0xa: {  	s15 =	smul.u32 $0x2710, s6;
	s13 =	sshrl.u32 s11, $0x1;
	s14 =	sshrl.u32 s8, $0x3  }
0xb: {  	s6 =	sadd.s32 s8, s3;
	s11 =	ssub.s32 s11, s13;
	s5 =	sadd.s32 s5, s14  }
0xc: {  	s10 =	sadd.s32 s8, s10;
	s31 =	sadd.s32 s15, s12;
	s12 =	simm.s32 $0x80  }
0xd: {  	s13 =	simm.s32 $0x50;
	s14 =	simm.s32 $0x0;
	s30 =	sshrl.u32 s10, $0x3  }
0xe: {  	s8 =	smax.u32 s11, $0x1;
	s10 =	sshrl.u32 s31, $0x3;
	s11 =	simm.s32 $0x1  }
0xf: {  	s7 =	sadd.s32 s7, s30;
	s9 =	sadd.s32 s10, s9;
	s10 =	simm.s32 $0x100  }
.LBB2_1:
0x10: {  	[tilespmem:s10], [sflag:$0x1] =	stream.linear.gather [hbm4b:s5+s4], $0x278, $0x38;
	[tilespmem:$0x5F8] =	vst v63  }
0x11: {  	_ =	swait.ge [sflag:s11], $0x278  }
0x12: {  	[sflag:s11] =	ssyncset.done $0x0  }
0x13: {  	[sflag:s11] =	ssyncadd.s32 $0xFFFFFD88  }
0x14: {  	[spmem:s6] =	stream.linear.scatter [tilespmem:s10], [sflag:$0x1], $0x278, $0x38;
	[tilespmem:$0x5F8] =	vst v63  }
0x15: {  	_ =	swait.ge [sflag:s11], $0x278  }
0x16: {  	[sflag:s11] =	ssyncset.done $0x0  }
0x17: {  	[sflag:s11] =	ssyncadd.s32 $0xFFFFFD88  }
0x18: {  	[tilespmem:s12], [sflag:$0x1] =	stream.linear.gather [hbm4b:s1+s4], $0x80, $0x38;
	[tilespmem:$0x5F8] =	vst v63  }
0x19: {  	_ =	swait.ge [sflag:s11], $0x80  }
0x1a: {  	[sflag:s11] =	ssyncset.done $0x0  }
0x1b: {  	[sflag:s11] =	ssyncadd.s32 $0xFFFFFF80  }
0x1c: {  	s15 =	sadd.s32 $0x0, s9;
	[bflag:$0x0] =	sbarrier.arrive $0xFFFF  }
0x1d: {  	[tilespmem:s4], [sflag:$0x1] =	stream.linear.gather [hbm4b:s15+s4], $0x50, $0x38;
	[tilespmem:$0x5F8] =	vst v63  }
0x1e: {  	_ =	swait.ge [sflag:s11], $0x50  }
0x1f: {  	[sflag:s11] =	ssyncset.done $0x0  }
0x20: {  	[sflag:s11] =	ssyncadd.s32 $0xFFFFFFB0  }
0x21: {  	[spmem:s3] =	stream.indirect.scatter.add.f32 [tilespmem:s12], [sflag:$0x1], $0x1, s4, s13, $0xb8;
	[tilespmem:$0x5F8] =	vst v63  }
0x22: {  	_ =	swait.ge [sflag:s11], $0x50  }
0x23: {  	s16 =	simm.s32 $0x14;
	s15 =	simm.s32 $0xA;
	[sflag:s11] =	ssyncset.done $0x0  }
.LBB2_2:
0x24: {  	s17 =	sadd.s32 s15, s9  }
0x25: {  	[sflag:s11] =	ssyncadd.s32 $0xFFFFFFB0;
	s15 =	smov.u32 s16;
	s18 =	sadd.s32 $0xA, s16  }
0x26: {  	[tilespmem:s4], [sflag:$0x1] =	stream.linear.gather [hbm4b:s17+s4], $0x50, $0x38;
	[tilespmem:$0x5F8] =	vst v63  }
0x27: {  	p0 =	sne.s32 s16, $0x4D8;
	_ =	swait.ge [sflag:s11], $0x50  }
.Ltmp0:
0x28: {  	[sflag:s11] =	ssyncset.done $0x0;
	(pc) =	sbr.rel @p0 .LBB2_2-.Ltmp0, $4  }
0x29: {  	[sflag:s11] =	ssyncadd.s32 $0xFFFFFFB0  }
0x2a: {  	[spmem:s3] =	stream.indirect.scatter.add.f32 [tilespmem:s12], [sflag:$0x1], $0x1, s4, s13, $0xb8;
	[tilespmem:$0x5F8] =	vst v63  }
0x2b: {  	_ =	swait.ge [sflag:s11], $0x50  }
0x2c: {  	s16 =	smov.u32 s18;
	[sflag:s11] =	ssyncset.done $0x0  }
0x2d: {  	s15 =	sadd.s32 s15, s9;
	[sflag:s11] =	ssyncadd.s32 $0xFFFFFFB0  }
0x2e: {  	[tilespmem:s4], [sflag:$0x1] =	stream.linear.gather [hbm4b:s15+s4], $0x50, $0x38;
	[tilespmem:$0x5F8] =	vst v63  }
0x2f: {  	_ =	swait.ge [sflag:s11], $0x50  }
0x30: {  	[sflag:s11] =	ssyncset.done $0x0  }
0x31: {  	[sflag:s11] =	ssyncadd.s32 $0xFFFFFFB0  }
0x32: {  	[spmem:s3] =	stream.indirect.scatter.add.f32 [tilespmem:s12], [sflag:$0x1], $0x1, s4, s13, $0xb8;
	[tilespmem:$0x5F8] =	vst v63  }
0x33: {  	_ =	swait.ge [sflag:s11], $0x50  }
0x34: {  	[sflag:s11] =	ssyncset.done $0x0  }
0x35: {  	[sflag:s11] =	ssyncadd.s32 $0xFFFFFFB0  }
0x36: {  	[bflag:$0x0] =	sbarrier.arrive $0xFFFF  }
0x37: {  	[tilespmem:s10], [sflag:$0x1] =	stream.linear.gather [spmem:s6], $0x278, $0x38;
	[tilespmem:$0x5F8] =	vst v63  }
0x38: {  	s14 =	sadd.s32 $0x1, s14;
	_ =	swait.ge [sflag:s11], $0x278  }
0x39: {  	p0 =	sne.s32 s14, s8;
	[sflag:s11] =	ssyncset.done $0x0  }
.Ltmp1:
0x3a: {  	[sflag:s11] =	ssyncadd.s32 $0xFFFFFD88;
	(pc) =	sbr.rel @p0 .LBB2_1-.Ltmp1, $4  }
0x3b: {  	[hbm4b:s7+s4] =	stream.linear.scatter [tilespmem:s10], [sflag:$0x1], $0x278, $0x38;
	[tilespmem:$0x5F8] =	vst v63  }
0x3c: {  	_ =	swait.ge [sflag:s11], $0x278  }
0x3d: {  	[sflag:s11] =	ssyncset.done $0x0  }
0x3e: {  	[sflag:s11] =	ssyncadd.s32 $0xFFFFFD88  }
0x3f: {  	_ =	sfence.sel $0x180000  }
0x40: {  	[bflag:$0x0] =	sbarrier.arrive $0xFFFF  }
0x41: {  	p0 =	sne.s32 s2, $0x0;
	_ =	strace $0x90000047  }
0x42: {  	s0 =	sadd.s32 @!p0 $0x100000, s0;
	[bflag:$0x2] =	sbarrier.arrive $0xFFFF  }
0x43: {  	[sflag:s0] =	ssyncadd.tile.s32 @!p0 $0x1;
	_ =	shalt  }
.Lfunc_end2:
_tile_overlayer_lowered:
.L_overlay_start_2:
0x44: {  	(tag) =	ssettag $0x2  }
0x45: {  	s0 =	rddreg [dreg:$0x0];
	s2 =	stileid.u32  }
0x46: {  	s1 =	rddreg [dreg:$0x1];
	p0 =	sne.s32 s2, $0x0  }
0x47: {  	s3 =	rddreg [dreg:$0x2];
	[bflag:$0x3] =	sbarrier.arrive $0xFFFF;
	s2 =	simm.s32 @!p0 $0x1C01  }
0x48: {  	[timem:s3], [sflag:s2] =	dma.local @!p0 [hbm:s0], s1  }
0x49: {  	s0 =	simm.s32 @!p0 $0x1  }
0x4a: {  	_ =	swait.ge @!p0 [sflag:s0], s1  }
0x4b: {  	s1 =	ssub.s32 @!p0 $0x0, s1;
	[sflag:s0] =	ssyncset.done @!p0 $0x0  }
0x4c: {  	[sflag:s0] =	ssyncadd.s32 @!p0 s1  }
0x4d: {  	[bflag:$0x3] =	sbarrier.arrive $0xFFFF  }
0x4e: {  	_ =	shalt  }

</sc_bundles>
